<compile_context>
chip_gen: v7x
topology: tpu7x:2x2x1
jax: 0.10.2.dev20260603
libtpu: 0.0.44.dev20260713+nightly
codegen_flags: <defaults>
</compile_context>

<pallas_src>
import functools

import jax
import jax.numpy as jnp
from jax import lax
from jax.experimental import pallas as pl
from jax.experimental.pallas import tpu as pltpu
from jax.experimental.pallas import tpu_sc as plsc

ROWS, SEQ, D = 16384, 200, 128
TOTAL = ROWS * SEQ
NC, NS = 2, 16
NW = NC * NS
PER_W = TOTAL // NW
CHUNK = 128
NBUF = 4
SUPER = 25600
N_SUPER = PER_W // SUPER
CPS = SUPER // CHUNK

assert N_SUPER * SUPER == PER_W and CPS * CHUNK == SUPER and CPS % NBUF == 0

_mesh = plsc.VectorSubcoreMesh(core_axis_name="c", subcore_axis_name="s")


@functools.partial(
    pl.kernel,
    out_type=jax.ShapeDtypeStruct((TOTAL, D), jnp.float32),
    mesh=_mesh,
    scratch_types=[
        pltpu.VMEM((SUPER,), jnp.int32),
        pltpu.VMEM((NBUF, CHUNK, D), jnp.float32),
        pltpu.VMEM_SHARED((32, D), jnp.float32),
        pltpu.SemaphoreType.DMA,
        pltpu.SemaphoreType.DMA,
    ],
)
def _emb_lookup(ids_hbm, table_hbm, out_hbm, ids_v, rows_v, tab_sh, gsem, osem):
    wid = lax.axis_index("s") * NC + lax.axis_index("c")
    base = wid * PER_W

    @pl.when(lax.axis_index("s") == 0)
    def _stage_table():
        pltpu.sync_copy(table_hbm, tab_sh)

    plsc.subcore_barrier()

    @pl.loop(0, N_SUPER)
    def _supers(s):
        sbase = base + s * SUPER
        pltpu.sync_copy(ids_hbm.at[pl.ds(sbase, SUPER)], ids_v)

        @pl.loop(0, CPS, step=NBUF)
        def _chunks(i0):
            for b in range(NBUF):
                i = i0 + b
                off = sbase + i * CHUNK

                @pl.when(i0 >= NBUF)
                def _drain_prev():
                    pltpu.make_async_copy(
                        rows_v.at[b],
                        out_hbm.at[pl.ds(off - NBUF * CHUNK, CHUNK)],
                        osem,
                    ).wait()

                pltpu.async_copy(
                    tab_sh.at[ids_v.at[pl.ds(i * CHUNK, CHUNK)]],
                    rows_v.at[b],
                    gsem,
                ).wait()
                pltpu.async_copy(
                    rows_v.at[b],
                    out_hbm.at[pl.ds(off, CHUNK)],
                    osem,
                )

        for b in range(NBUF):
            i = CPS - NBUF + b
            pltpu.make_async_copy(
                rows_v.at[b],
                out_hbm.at[pl.ds(sbase + i * CHUNK, CHUNK)],
                osem,
            ).wait()


def kernel(input_ids, embedding):
    ids_flat = input_ids.reshape(-1).astype(jnp.int32)
    out = _emb_lookup(ids_flat, embedding)
    return out.reshape(ROWS, SEQ, D)

# --- scband reference (transcript-rebuilt; emitter-appended) ---
"""Pipeline reference for scband-dummy-text-model-36223754174904 (READ-ONLY COPY).

The authoritative reference and input builder live on the scoring server;
editing this copy changes nothing except your own understanding.
"""

import jax, jax.numpy as jnp
import numpy as np

def setup_inputs(seed: int = 0) -> dict:
    key = jax.random.key(seed)
    k1, k2 = jax.random.split(key)
    input_ids = jax.random.randint(k1, (16384, 200), 0, 32, dtype=jnp.int64)
    embedding = jax.random.normal(k2, (32, 128), dtype=jnp.float32)
    return {"input_ids": input_ids, "embedding": embedding}

def reference(input_ids, embedding):
    # DummyTextModel.forward: last_hidden_state = embedding(input_ids)
    last_hidden_state = jnp.take(embedding, input_ids, axis=0)
    return last_hidden_state

if __name__ == "__main__":
    import jax
    _d = setup_inputs()
    print(jax.jit(kernel)(*tuple(_d.values())))

</pallas_src>

<mosaic_0001>
#map = affine_map<(d0, d1) -> (0)>
#map1 = affine_map<(d0, d1) -> (0, 0)>
module attributes {stable_mosaic.version = 14 : i64} {
  func.func @_emb_lookup(%arg0: i32, %arg1: i32, %arg2: memref<3276800xi32, #tpu.memory_space<hbm>>, %arg3: memref<32x128xf32, #tpu.memory_space<hbm>>, %arg4: memref<3276800x128xf32, #tpu.memory_space<hbm>>, %arg5: memref<25600xi32, #tpu.memory_space<vmem>>, %arg6: memref<4x128x128xf32, #tpu.memory_space<vmem>>, %arg7: memref<32x128xf32, #tpu.memory_space<vmem_shared>>, %arg8: memref<!tpu.dma_semaphore, #tpu.memory_space<semaphore_mem>>, %arg9: memref<!tpu.dma_semaphore, #tpu.memory_space<semaphore_mem>>) attributes {dimension_semantics = [#tpu.dimension_semantics<core_parallel>, #tpu.dimension_semantics<subcore_parallel>], iteration_bounds = array<i64: 2, 16>, scalar_prefetch = 0 : i64, scratch_operands = 5 : i64, tpu.core_type = #tpu.core_type<sc_vector_subcore>, window_params = [{transform_indices = #map}, {transform_indices = #map1}, {transform_indices = #map1}]} {
    %mul3A = arith.constant 2 : i32
    %mul3A_0 = arith.muli %arg1, %mul3A : i32
    %add3A = arith.addi %mul3A_0, %arg0 : i32
    %mul3A_1 = arith.constant 102400 : i32
    %mul3A_2 = arith.muli %add3A, %mul3A_1 : i32
    %eq3A = arith.constant 0 : i32
    %eq3A_3 = arith.cmpi eq, %arg1, %eq3A : i32
    %convert_element_type3A = arith.extui %eq3A_3 : i1 to i32
    %cond3A = arith.constant 0 : i32
    %cond3A_4 = arith.cmpi ne, %convert_element_type3A, %cond3A : i32
    scf.if %cond3A_4 {
      "tpu.region"() ({
        %run_scoped3A = tpu.sem_alloc : memref<!tpu.dma_semaphore, #tpu.memory_space<semaphore_mem>>
        tpu.enqueue_dma source(%arg3 : memref<32x128xf32, #tpu.memory_space<hbm>>) target(%arg7 : memref<32x128xf32, #tpu.memory_space<vmem_shared>>) target_semaphore(%run_scoped3A : memref<!tpu.dma_semaphore, #tpu.memory_space<semaphore_mem>>)
        tpu.wait_dma2 semaphore(%run_scoped3A : memref<!tpu.dma_semaphore, #tpu.memory_space<semaphore_mem>>) src(%arg3 : memref<32x128xf32, #tpu.memory_space<hbm>>) dst(%arg7 : memref<32x128xf32, #tpu.memory_space<vmem_shared>>)
        tpu.yield
      }) : () -> ()
    } else {
    }
    %barrier3A = arith.constant 0 : index
    tpu.barrier barrier_id(%barrier3A)
    %scan3A = arith.constant 0 : i32
    %scan3A_5 = arith.constant 4 : i32
    %scan3A_6 = arith.addi %scan3A, %scan3A_5 : i32
    %scan3A_7 = arith.constant 1 : i32
    scf.for %scan3A_9 = %scan3A to %scan3A_6 step %scan3A_7  : i32 {
      %mul3A_10 = arith.constant 1 : i32
      %mul3A_11 = arith.muli %scan3A_9, %mul3A_10 : i32
      %add3A_12 = arith.constant 0 : i32
      %add3A_13 = arith.addi %add3A_12, %mul3A_11 : i32
      %mul3A_14 = arith.constant 25600 : i32
      %mul3A_15 = arith.muli %add3A_13, %mul3A_14 : i32
      %add3A_16 = arith.addi %mul3A_2, %mul3A_15 : i32
      "tpu.region"() ({
        %run_scoped3A = tpu.sem_alloc : memref<!tpu.dma_semaphore, #tpu.memory_space<semaphore_mem>>
        %dma_start3A = tpu.memref_slice %arg2[%add3A_16] : memref<3276800xi32, #tpu.memory_space<hbm>> -> memref<25600xi32, #tpu.memory_space<hbm>>
        %dma_start3A_81 = tpu.memref_slice %arg2[%add3A_16] : memref<3276800xi32, #tpu.memory_space<hbm>> -> memref<25600xi32, #tpu.memory_space<hbm>>
        tpu.enqueue_dma source(%dma_start3A_81 : memref<25600xi32, #tpu.memory_space<hbm>>) target(%arg5 : memref<25600xi32, #tpu.memory_space<vmem>>) target_semaphore(%run_scoped3A : memref<!tpu.dma_semaphore, #tpu.memory_space<semaphore_mem>>)
        %dma_wait3A_82 = tpu.memref_slice %arg2[%add3A_16] : memref<3276800xi32, #tpu.memory_space<hbm>> -> memref<25600xi32, #tpu.memory_space<hbm>>
        %dma_wait3A_83 = tpu.memref_slice %arg2[%add3A_16] : memref<3276800xi32, #tpu.memory_space<hbm>> -> memref<25600xi32, #tpu.memory_space<hbm>>
        tpu.wait_dma2 semaphore(%run_scoped3A : memref<!tpu.dma_semaphore, #tpu.memory_space<semaphore_mem>>) src(%dma_wait3A_83 : memref<25600xi32, #tpu.memory_space<hbm>>) dst(%arg5 : memref<25600xi32, #tpu.memory_space<vmem>>)
        tpu.yield
      }) : () -> ()
      %scan3A_17 = arith.constant 0 : i32
      %scan3A_18 = arith.constant 50 : i32
      %scan3A_19 = arith.addi %scan3A_17, %scan3A_18 : i32
      %scan3A_20 = arith.constant 1 : i32
      scf.for %scan3A_81 = %scan3A_17 to %scan3A_19 step %scan3A_20  : i32 {
        %mul3A_82 = arith.constant 4 : i32
        %mul3A_83 = arith.muli %scan3A_81, %mul3A_82 : i32
        %add3A_84 = arith.constant 0 : i32
        %add3A_85 = arith.addi %add3A_84, %mul3A_83 : i32
        %add3A_86 = arith.constant 0 : i32
        %add3A_87 = arith.addi %add3A_85, %add3A_86 : i32
        %mul3A_88 = arith.constant 128 : i32
        %mul3A_89 = arith.muli %add3A_87, %mul3A_88 : i32
        %add3A_90 = arith.addi %add3A_16, %mul3A_89 : i32
        %ge3A = arith.constant 4 : i32
        %ge3A_91 = arith.cmpi sge, %add3A_85, %ge3A : i32
        %convert_element_type3A_92 = arith.extui %ge3A_91 : i1 to i32
        %cond3A_93 = arith.constant 0 : i32
        %cond3A_94 = arith.cmpi ne, %convert_element_type3A_92, %cond3A_93 : i32
        scf.if %cond3A_94 {
          %sub3A = arith.constant 512 : i32
          %sub3A_256 = arith.subi %add3A_90, %sub3A : i32
          %dma_wait3A_257 = arith.constant 0 : i32
          %dma_wait3A_258 = arith.constant 0 : i32
          %dma_wait3A_259 = arith.constant 0 : i32
          %dma_wait3A_260 = tpu.memref_slice %arg6[%dma_wait3A_257, %dma_wait3A_258, %dma_wait3A_259] : memref<4x128x128xf32, #tpu.memory_space<vmem>> -> memref<1x128x128xf32, #tpu.memory_space<vmem>>
          %dma_wait3A_261 = tpu.memref_squeeze %dma_wait3A_260 : memref<1x128x128xf32, #tpu.memory_space<vmem>> -> memref<128x128xf32, #tpu.memory_space<vmem>>
          %dma_wait3A_262 = arith.constant 0 : i32
          %dma_wait3A_263 = tpu.memref_slice %arg4[%sub3A_256, %dma_wait3A_262] : memref<3276800x128xf32, #tpu.memory_space<hbm>> -> memref<128x128xf32, #tpu.memory_space<hbm>>
          %dma_wait3A_264 = arith.constant 0 : i32
          %dma_wait3A_265 = tpu.memref_slice %arg4[%sub3A_256, %dma_wait3A_264] : memref<3276800x128xf32, #tpu.memory_space<hbm>> -> memref<128x128xf32, #tpu.memory_space<hbm>>
          %dma_wait3A_266 = arith.constant 0 : i32
          %dma_wait3A_267 = arith.constant 0 : i32
          %dma_wait3A_268 = tpu.memref_slice %arg6[%dma_wait3A_257, %dma_wait3A_266, %dma_wait3A_267] : memref<4x128x128xf32, #tpu.memory_space<vmem>> -> memref<1x128x128xf32, #tpu.memory_space<vmem>>
          %dma_wait3A_269 = tpu.memref_squeeze %dma_wait3A_268 : memref<1x128x128xf32, #tpu.memory_space<vmem>> -> memref<128x128xf32, #tpu.memory_space<vmem>>
          tpu.wait_dma2 semaphore(%arg9 : memref<!tpu.dma_semaphore, #tpu.memory_space<semaphore_mem>>) src(%dma_wait3A_269 : memref<128x128xf32, #tpu.memory_space<vmem>>) dst(%dma_wait3A_265 : memref<128x128xf32, #tpu.memory_space<hbm>>)
        } else {
        }
        %mul3A_95 = arith.constant 128 : i32
        %mul3A_96 = arith.muli %add3A_87, %mul3A_95 : i32
        %dma_start3A = arith.constant 0 : i32
        %dma_start3A_97 = arith.constant 0 : i32
        %dma_start3A_98 = arith.constant 0 : i32
        %dma_start3A_99 = tpu.memref_slice %arg6[%dma_start3A, %dma_start3A_97, %dma_start3A_98] : memref<4x128x128xf32, #tpu.memory_space<vmem>> -> memref<1x128x128xf32, #tpu.memory_space<vmem>>
        %dma_start3A_100 = tpu.memref_squeeze %dma_start3A_99 : memref<1x128x128xf32, #tpu.memory_space<vmem>> -> memref<128x128xf32, #tpu.memory_space<vmem>>
        %dma_start3A_101 = tpu.memref_slice %arg5[%mul3A_96] : memref<25600xi32, #tpu.memory_space<vmem>> -> memref<128xi32, #tpu.memory_space<vmem>>
        %dma_start3A_102 = arith.constant 0 : i32
        %dma_start3A_103 = arith.constant 0 : i32
        %dma_start3A_104 = tpu.memref_slice %arg7[%dma_start3A_102, %dma_start3A_103] : memref<32x128xf32, #tpu.memory_space<vmem_shared>> -> memref<32x128xf32, #tpu.memory_space<vmem_shared>>
        tpu.enqueue_indirect_dma source(%dma_start3A_104 : memref<32x128xf32, #tpu.memory_space<vmem_shared>>) target(%dma_start3A_100 : memref<128x128xf32, #tpu.memory_space<vmem>>) offsets(%dma_start3A_101 : memref<128xi32, #tpu.memory_space<vmem>>) semaphore(%arg8 : memref<!tpu.dma_semaphore, #tpu.memory_space<semaphore_mem>>)
        %dma_wait3A_105 = arith.constant 0 : i32
        %dma_wait3A_106 = arith.constant 0 : i32
        %dma_wait3A_107 = arith.constant 0 : i32
        %dma_wait3A_108 = tpu.memref_slice %arg6[%dma_wait3A_105, %dma_wait3A_106, %dma_wait3A_107] : memref<4x128x128xf32, #tpu.memory_space<vmem>> -> memref<1x128x128xf32, #tpu.memory_space<vmem>>
        %dma_wait3A_109 = tpu.memref_squeeze %dma_wait3A_108 : memref<1x128x128xf32, #tpu.memory_space<vmem>> -> memref<128x128xf32, #tpu.memory_space<vmem>>
        %dma_wait3A_110 = tpu.memref_slice %arg5[%mul3A_96] : memref<25600xi32, #tpu.memory_space<vmem>> -> memref<128xi32, #tpu.memory_space<vmem>>
        %dma_wait3A_111 = arith.constant 0 : i32
        %dma_wait3A_112 = arith.constant 0 : i32
        %dma_wait3A_113 = tpu.memref_slice %arg7[%dma_wait3A_111, %dma_wait3A_112] : memref<32x128xf32, #tpu.memory_space<vmem_shared>> -> memref<32x128xf32, #tpu.memory_space<vmem_shared>>
        tpu.wait_indirect_dma semaphore(%arg8 : memref<!tpu.dma_semaphore, #tpu.memory_space<semaphore_mem>>) src(%dma_wait3A_113 : memref<32x128xf32, #tpu.memory_space<vmem_shared>>) dst(%dma_wait3A_109 : memref<128x128xf32, #tpu.memory_space<vmem>>)
        %dma_start3A_114 = arith.constant 0 : i32
        %dma_start3A_115 = arith.constant 0 : i32
        %dma_start3A_116 = arith.constant 0 : i32
        %dma_start3A_117 = tpu.memref_slice %arg6[%dma_start3A_114, %dma_start3A_115, %dma_start3A_116] : memref<4x128x128xf32, #tpu.memory_space<vmem>> -> memref<1x128x128xf32, #tpu.memory_space<vmem>>
        %dma_start3A_118 = tpu.memref_squeeze %dma_start3A_117 : memref<1x128x128xf32, #tpu.memory_space<vmem>> -> memref<128x128xf32, #tpu.memory_space<vmem>>
        %dma_start3A_119 = arith.constant 0 : i32
        %dma_start3A_120 = tpu.memref_slice %arg4[%add3A_90, %dma_start3A_119] : memref<3276800x128xf32, #tpu.memory_space<hbm>> -> memref<128x128xf32, #tpu.memory_space<hbm>>
        %dma_start3A_121 = arith.constant 0 : i32
        %dma_start3A_122 = tpu.memref_slice %arg4[%add3A_90, %dma_start3A_121] : memref<3276800x128xf32, #tpu.memory_space<hbm>> -> memref<128x128xf32, #tpu.memory_space<hbm>>
        %dma_start3A_123 = arith.constant 0 : i32
        %dma_start3A_124 = arith.constant 0 : i32
        %dma_start3A_125 = tpu.memref_slice %arg6[%dma_start3A_114, %dma_start3A_123, %dma_start3A_124] : memref<4x128x128xf32, #tpu.memory_space<vmem>> -> memref<1x128x128xf32, #tpu.memory_space<vmem>>
        %dma_start3A_126 = tpu.memref_squeeze %dma_start3A_125 : memref<1x128x128xf32, #tpu.memory_space<vmem>> -> memref<128x128xf32, #tpu.memory_space<vmem>>
        tpu.enqueue_dma source(%dma_start3A_126 : memref<128x128xf32, #tpu.memory_space<vmem>>) target(%dma_start3A_122 : memref<128x128xf32, #tpu.memory_space<hbm>>) target_semaphore(%arg9 : memref<!tpu.dma_semaphore, #tpu.memory_space<semaphore_mem>>)
        %add3A_127 = arith.constant 1 : i32
        %add3A_128 = arith.addi %add3A_85, %add3A_127 : i32
        %mul3A_129 = arith.constant 128 : i32
        %mul3A_130 = arith.muli %add3A_128, %mul3A_129 : i32
        %add3A_131 = arith.addi %add3A_16, %mul3A_130 : i32
        %ge3A_132 = arith.constant 4 : i32
        %ge3A_133 = arith.cmpi sge, %add3A_85, %ge3A_132 : i32
        %convert_element_type3A_134 = arith.extui %ge3A_133 : i1 to i32
        %cond3A_135 = arith.constant 0 : i32
        %cond3A_136 = arith.cmpi ne, %convert_element_type3A_134, %cond3A_135 : i32
        scf.if %cond3A_136 {
          %sub3A = arith.constant 512 : i32
          %sub3A_256 = arith.subi %add3A_131, %sub3A : i32
          %dma_wait3A_257 = arith.constant 1 : i32
          %dma_wait3A_258 = arith.constant 0 : i32
          %dma_wait3A_259 = arith.constant 0 : i32
          %dma_wait3A_260 = tpu.memref_slice %arg6[%dma_wait3A_257, %dma_wait3A_258, %dma_wait3A_259] : memref<4x128x128xf32, #tpu.memory_space<vmem>> -> memref<1x128x128xf32, #tpu.memory_space<vmem>>
          %dma_wait3A_261 = tpu.memref_squeeze %dma_wait3A_260 : memref<1x128x128xf32, #tpu.memory_space<vmem>> -> memref<128x128xf32, #tpu.memory_space<vmem>>
          %dma_wait3A_262 = arith.constant 0 : i32
          %dma_wait3A_263 = tpu.memref_slice %arg4[%sub3A_256, %dma_wait3A_262] : memref<3276800x128xf32, #tpu.memory_space<hbm>> -> memref<128x128xf32, #tpu.memory_space<hbm>>
          %dma_wait3A_264 = arith.constant 0 : i32
          %dma_wait3A_265 = tpu.memref_slice %arg4[%sub3A_256, %dma_wait3A_264] : memref<3276800x128xf32, #tpu.memory_space<hbm>> -> memref<128x128xf32, #tpu.memory_space<hbm>>
          %dma_wait3A_266 = arith.constant 0 : i32
          %dma_wait3A_267 = arith.constant 0 : i32
          %dma_wait3A_268 = tpu.memref_slice %arg6[%dma_wait3A_257, %dma_wait3A_266, %dma_wait3A_267] : memref<4x128x128xf32, #tpu.memory_space<vmem>> -> memref<1x128x128xf32, #tpu.memory_space<vmem>>
          %dma_wait3A_269 = tpu.memref_squeeze %dma_wait3A_268 : memref<1x128x128xf32, #tpu.memory_space<vmem>> -> memref<128x128xf32, #tpu.memory_space<vmem>>
          tpu.wait_dma2 semaphore(%arg9 : memref<!tpu.dma_semaphore, #tpu.memory_space<semaphore_mem>>) src(%dma_wait3A_269 : memref<128x128xf32, #tpu.memory_space<vmem>>) dst(%dma_wait3A_265 : memref<128x128xf32, #tpu.memory_space<hbm>>)
        } else {
        }
        %mul3A_137 = arith.constant 128 : i32
        %mul3A_138 = arith.muli %add3A_128, %mul3A_137 : i32
        %dma_start3A_139 = arith.constant 1 : i32
        %dma_start3A_140 = arith.constant 0 : i32
        %dma_start3A_141 = arith.constant 0 : i32
        %dma_start3A_142 = tpu.memref_slice %arg6[%dma_start3A_139, %dma_start3A_140, %dma_start3A_141] : memref<4x128x128xf32, #tpu.memory_space<vmem>> -> memref<1x128x128xf32, #tpu.memory_space<vmem>>
        %dma_start3A_143 = tpu.memref_squeeze %dma_start3A_142 : memref<1x128x128xf32, #tpu.memory_space<vmem>> -> memref<128x128xf32, #tpu.memory_space<vmem>>
        %dma_start3A_144 = tpu.memref_slice %arg5[%mul3A_138] : memref<25600xi32, #tpu.memory_space<vmem>> -> memref<128xi32, #tpu.memory_space<vmem>>
        %dma_start3A_145 = arith.constant 0 : i32
        %dma_start3A_146 = arith.constant 0 : i32
        %dma_start3A_147 = tpu.memref_slice %arg7[%dma_start3A_145, %dma_start3A_146] : memref<32x128xf32, #tpu.memory_space<vmem_shared>> -> memref<32x128xf32, #tpu.memory_space<vmem_shared>>
        tpu.enqueue_indirect_dma source(%dma_start3A_147 : memref<32x128xf32, #tpu.memory_space<vmem_shared>>) target(%dma_start3A_143 : memref<128x128xf32, #tpu.memory_space<vmem>>) offsets(%dma_start3A_144 : memref<128xi32, #tpu.memory_space<vmem>>) semaphore(%arg8 : memref<!tpu.dma_semaphore, #tpu.memory_space<semaphore_mem>>)
        %dma_wait3A_148 = arith.constant 1 : i32
        %dma_wait3A_149 = arith.constant 0 : i32
        %dma_wait3A_150 = arith.constant 0 : i32
        %dma_wait3A_151 = tpu.memref_slice %arg6[%dma_wait3A_148, %dma_wait3A_149, %dma_wait3A_150] : memref<4x128x128xf32, #tpu.memory_space<vmem>> -> memref<1x128x128xf32, #tpu.memory_space<vmem>>
        %dma_wait3A_152 = tpu.memref_squeeze %dma_wait3A_151 : memref<1x128x128xf32, #tpu.memory_space<vmem>> -> memref<128x128xf32, #tpu.memory_space<vmem>>
        %dma_wait3A_153 = tpu.memref_slice %arg5[%mul3A_138] : memref<25600xi32, #tpu.memory_space<vmem>> -> memref<128xi32, #tpu.memory_space<vmem>>
        %dma_wait3A_154 = arith.constant 0 : i32
        %dma_wait3A_155 = arith.constant 0 : i32
        %dma_wait3A_156 = tpu.memref_slice %arg7[%dma_wait3A_154, %dma_wait3A_155] : memref<32x128xf32, #tpu.memory_space<vmem_shared>> -> memref<32x128xf32, #tpu.memory_space<vmem_shared>>
        tpu.wait_indirect_dma semaphore(%arg8 : memref<!tpu.dma_semaphore, #tpu.memory_space<semaphore_mem>>) src(%dma_wait3A_156 : memref<32x128xf32, #tpu.memory_space<vmem_shared>>) dst(%dma_wait3A_152 : memref<128x128xf32, #tpu.memory_space<vmem>>)
        %dma_start3A_157 = arith.constant 1 : i32
        %dma_start3A_158 = arith.constant 0 : i32
        %dma_start3A_159 = arith.constant 0 : i32
        %dma_start3A_160 = tpu.memref_slice %arg6[%dma_start3A_157, %dma_start3A_158, %dma_start3A_159] : memref<4x128x128xf32, #tpu.memory_space<vmem>> -> memref<1x128x128xf32, #tpu.memory_space<vmem>>
        %dma_start3A_161 = tpu.memref_squeeze %dma_start3A_160 : memref<1x128x128xf32, #tpu.memory_space<vmem>> -> memref<128x128xf32, #tpu.memory_space<vmem>>
        %dma_start3A_162 = arith.constant 0 : i32
        %dma_start3A_163 = tpu.memref_slice %arg4[%add3A_131, %dma_start3A_162] : memref<3276800x128xf32, #tpu.memory_space<hbm>> -> memref<128x128xf32, #tpu.memory_space<hbm>>
        %dma_start3A_164 = arith.constant 0 : i32
        %dma_start3A_165 = tpu.memref_slice %arg4[%add3A_131, %dma_start3A_164] : memref<3276800x128xf32, #tpu.memory_space<hbm>> -> memref<128x128xf32, #tpu.memory_space<hbm>>
        %dma_start3A_166 = arith.constant 0 : i32
        %dma_start3A_167 = arith.constant 0 : i32
        %dma_start3A_168 = tpu.memref_slice %arg6[%dma_start3A_157, %dma_start3A_166, %dma_start3A_167] : memref<4x128x128xf32, #tpu.memory_space<vmem>> -> memref<1x128x128xf32, #tpu.memory_space<vmem>>
        %dma_start3A_169 = tpu.memref_squeeze %dma_start3A_168 : memref<1x128x128xf32, #tpu.memory_space<vmem>> -> memref<128x128xf32, #tpu.memory_space<vmem>>
        tpu.enqueue_dma source(%dma_start3A_169 : memref<128x128xf32, #tpu.memory_space<vmem>>) target(%dma_start3A_165 : memref<128x128xf32, #tpu.memory_space<hbm>>) target_semaphore(%arg9 : memref<!tpu.dma_semaphore, #tpu.memory_space<semaphore_mem>>)
        %add3A_170 = arith.constant 2 : i32
        %add3A_171 = arith.addi %add3A_85, %add3A_170 : i32
        %mul3A_172 = arith.constant 128 : i32
        %mul3A_173 = arith.muli %add3A_171, %mul3A_172 : i32
        %add3A_174 = arith.addi %add3A_16, %mul3A_173 : i32
        %ge3A_175 = arith.constant 4 : i32
        %ge3A_176 = arith.cmpi sge, %add3A_85, %ge3A_175 : i32
        %convert_element_type3A_177 = arith.extui %ge3A_176 : i1 to i32
        %cond3A_178 = arith.constant 0 : i32
        %cond3A_179 = arith.cmpi ne, %convert_element_type3A_177, %cond3A_178 : i32
        scf.if %cond3A_179 {
          %sub3A = arith.constant 512 : i32
          %sub3A_256 = arith.subi %add3A_174, %sub3A : i32
          %dma_wait3A_257 = arith.constant 2 : i32
          %dma_wait3A_258 = arith.constant 0 : i32
          %dma_wait3A_259 = arith.constant 0 : i32
          %dma_wait3A_260 = tpu.memref_slice %arg6[%dma_wait3A_257, %dma_wait3A_258, %dma_wait3A_259] : memref<4x128x128xf32, #tpu.memory_space<vmem>> -> memref<1x128x128xf32, #tpu.memory_space<vmem>>
          %dma_wait3A_261 = tpu.memref_squeeze %dma_wait3A_260 : memref<1x128x128xf32, #tpu.memory_space<vmem>> -> memref<128x128xf32, #tpu.memory_space<vmem>>
          %dma_wait3A_262 = arith.constant 0 : i32
          %dma_wait3A_263 = tpu.memref_slice %arg4[%sub3A_256, %dma_wait3A_262] : memref<3276800x128xf32, #tpu.memory_space<hbm>> -> memref<128x128xf32, #tpu.memory_space<hbm>>
          %dma_wait3A_264 = arith.constant 0 : i32
          %dma_wait3A_265 = tpu.memref_slice %arg4[%sub3A_256, %dma_wait3A_264] : memref<3276800x128xf32, #tpu.memory_space<hbm>> -> memref<128x128xf32, #tpu.memory_space<hbm>>
          %dma_wait3A_266 = arith.constant 0 : i32
          %dma_wait3A_267 = arith.constant 0 : i32
          %dma_wait3A_268 = tpu.memref_slice %arg6[%dma_wait3A_257, %dma_wait3A_266, %dma_wait3A_267] : memref<4x128x128xf32, #tpu.memory_space<vmem>> -> memref<1x128x128xf32, #tpu.memory_space<vmem>>
          %dma_wait3A_269 = tpu.memref_squeeze %dma_wait3A_268 : memref<1x128x128xf32, #tpu.memory_space<vmem>> -> memref<128x128xf32, #tpu.memory_space<vmem>>
          tpu.wait_dma2 semaphore(%arg9 : memref<!tpu.dma_semaphore, #tpu.memory_space<semaphore_mem>>) src(%dma_wait3A_269 : memref<128x128xf32, #tpu.memory_space<vmem>>) dst(%dma_wait3A_265 : memref<128x128xf32, #tpu.memory_space<hbm>>)
        } else {
        }
        %mul3A_180 = arith.constant 128 : i32
        %mul3A_181 = arith.muli %add3A_171, %mul3A_180 : i32
        %dma_start3A_182 = arith.constant 2 : i32
        %dma_start3A_183 = arith.constant 0 : i32
        %dma_start3A_184 = arith.constant 0 : i32
        %dma_start3A_185 = tpu.memref_slice %arg6[%dma_start3A_182, %dma_start3A_183, %dma_start3A_184] : memref<4x128x128xf32, #tpu.memory_space<vmem>> -> memref<1x128x128xf32, #tpu.memory_space<vmem>>
        %dma_start3A_186 = tpu.memref_squeeze %dma_start3A_185 : memref<1x128x128xf32, #tpu.memory_space<vmem>> -> memref<128x128xf32, #tpu.memory_space<vmem>>
        %dma_start3A_187 = tpu.memref_slice %arg5[%mul3A_181] : memref<25600xi32, #tpu.memory_space<vmem>> -> memref<128xi32, #tpu.memory_space<vmem>>
        %dma_start3A_188 = arith.constant 0 : i32
        %dma_start3A_189 = arith.constant 0 : i32
        %dma_start3A_190 = tpu.memref_slice %arg7[%dma_start3A_188, %dma_start3A_189] : memref<32x128xf32, #tpu.memory_space<vmem_shared>> -> memref<32x128xf32, #tpu.memory_space<vmem_shared>>
        tpu.enqueue_indirect_dma source(%dma_start3A_190 : memref<32x128xf32, #tpu.memory_space<vmem_shared>>) target(%dma_start3A_186 : memref<128x128xf32, #tpu.memory_space<vmem>>) offsets(%dma_start3A_187 : memref<128xi32, #tpu.memory_space<vmem>>) semaphore(%arg8 : memref<!tpu.dma_semaphore, #tpu.memory_space<semaphore_mem>>)
        %dma_wait3A_191 = arith.constant 2 : i32
        %dma_wait3A_192 = arith.constant 0 : i32
        %dma_wait3A_193 = arith.constant 0 : i32
        %dma_wait3A_194 = tpu.memref_slice %arg6[%dma_wait3A_191, %dma_wait3A_192, %dma_wait3A_193] : memref<4x128x128xf32, #tpu.memory_space<vmem>> -> memref<1x128x128xf32, #tpu.memory_space<vmem>>
        %dma_wait3A_195 = tpu.memref_squeeze %dma_wait3A_194 : memref<1x128x128xf32, #tpu.memory_space<vmem>> -> memref<128x128xf32, #tpu.memory_space<vmem>>
        %dma_wait3A_196 = tpu.memref_slice %arg5[%mul3A_181] : memref<25600xi32, #tpu.memory_space<vmem>> -> memref<128xi32, #tpu.memory_space<vmem>>
        %dma_wait3A_197 = arith.constant 0 : i32
        %dma_wait3A_198 = arith.constant 0 : i32
        %dma_wait3A_199 = tpu.memref_slice %arg7[%dma_wait3A_197, %dma_wait3A_198] : memref<32x128xf32, #tpu.memory_space<vmem_shared>> -> memref<32x128xf32, #tpu.memory_space<vmem_shared>>
        tpu.wait_indirect_dma semaphore(%arg8 : memref<!tpu.dma_semaphore, #tpu.memory_space<semaphore_mem>>) src(%dma_wait3A_199 : memref<32x128xf32, #tpu.memory_space<vmem_shared>>) dst(%dma_wait3A_195 : memref<128x128xf32, #tpu.memory_space<vmem>>)
        %dma_start3A_200 = arith.constant 2 : i32
        %dma_start3A_201 = arith.constant 0 : i32
        %dma_start3A_202 = arith.constant 0 : i32
        %dma_start3A_203 = tpu.memref_slice %arg6[%dma_start3A_200, %dma_start3A_201, %dma_start3A_202] : memref<4x128x128xf32, #tpu.memory_space<vmem>> -> memref<1x128x128xf32, #tpu.memory_space<vmem>>
        %dma_start3A_204 = tpu.memref_squeeze %dma_start3A_203 : memref<1x128x128xf32, #tpu.memory_space<vmem>> -> memref<128x128xf32, #tpu.memory_space<vmem>>
        %dma_start3A_205 = arith.constant 0 : i32
        %dma_start3A_206 = tpu.memref_slice %arg4[%add3A_174, %dma_start3A_205] : memref<3276800x128xf32, #tpu.memory_space<hbm>> -> memref<128x128xf32, #tpu.memory_space<hbm>>
        %dma_start3A_207 = arith.constant 0 : i32
        %dma_start3A_208 = tpu.memref_slice %arg4[%add3A_174, %dma_start3A_207] : memref<3276800x128xf32, #tpu.memory_space<hbm>> -> memref<128x128xf32, #tpu.memory_space<hbm>>
        %dma_start3A_209 = arith.constant 0 : i32
        %dma_start3A_210 = arith.constant 0 : i32
        %dma_start3A_211 = tpu.memref_slice %arg6[%dma_start3A_200, %dma_start3A_209, %dma_start3A_210] : memref<4x128x128xf32, #tpu.memory_space<vmem>> -> memref<1x128x128xf32, #tpu.memory_space<vmem>>
        %dma_start3A_212 = tpu.memref_squeeze %dma_start3A_211 : memref<1x128x128xf32, #tpu.memory_space<vmem>> -> memref<128x128xf32, #tpu.memory_space<vmem>>
        tpu.enqueue_dma source(%dma_start3A_212 : memref<128x128xf32, #tpu.memory_space<vmem>>) target(%dma_start3A_208 : memref<128x128xf32, #tpu.memory_space<hbm>>) target_semaphore(%arg9 : memref<!tpu.dma_semaphore, #tpu.memory_space<semaphore_mem>>)
        %add3A_213 = arith.constant 3 : i32
        %add3A_214 = arith.addi %add3A_85, %add3A_213 : i32
        %mul3A_215 = arith.constant 128 : i32
        %mul3A_216 = arith.muli %add3A_214, %mul3A_215 : i32
        %add3A_217 = arith.addi %add3A_16, %mul3A_216 : i32
        %ge3A_218 = arith.constant 4 : i32
        %ge3A_219 = arith.cmpi sge, %add3A_85, %ge3A_218 : i32
        %convert_element_type3A_220 = arith.extui %ge3A_219 : i1 to i32
        %cond3A_221 = arith.constant 0 : i32
        %cond3A_222 = arith.cmpi ne, %convert_element_type3A_220, %cond3A_221 : i32
        scf.if %cond3A_222 {
          %sub3A = arith.constant 512 : i32
          %sub3A_256 = arith.subi %add3A_217, %sub3A : i32
          %dma_wait3A_257 = arith.constant 3 : i32
          %dma_wait3A_258 = arith.constant 0 : i32
          %dma_wait3A_259 = arith.constant 0 : i32
          %dma_wait3A_260 = tpu.memref_slice %arg6[%dma_wait3A_257, %dma_wait3A_258, %dma_wait3A_259] : memref<4x128x128xf32, #tpu.memory_space<vmem>> -> memref<1x128x128xf32, #tpu.memory_space<vmem>>
          %dma_wait3A_261 = tpu.memref_squeeze %dma_wait3A_260 : memref<1x128x128xf32, #tpu.memory_space<vmem>> -> memref<128x128xf32, #tpu.memory_space<vmem>>
          %dma_wait3A_262 = arith.constant 0 : i32
          %dma_wait3A_263 = tpu.memref_slice %arg4[%sub3A_256, %dma_wait3A_262] : memref<3276800x128xf32, #tpu.memory_space<hbm>> -> memref<128x128xf32, #tpu.memory_space<hbm>>
          %dma_wait3A_264 = arith.constant 0 : i32
          %dma_wait3A_265 = tpu.memref_slice %arg4[%sub3A_256, %dma_wait3A_264] : memref<3276800x128xf32, #tpu.memory_space<hbm>> -> memref<128x128xf32, #tpu.memory_space<hbm>>
          %dma_wait3A_266 = arith.constant 0 : i32
          %dma_wait3A_267 = arith.constant 0 : i32
          %dma_wait3A_268 = tpu.memref_slice %arg6[%dma_wait3A_257, %dma_wait3A_266, %dma_wait3A_267] : memref<4x128x128xf32, #tpu.memory_space<vmem>> -> memref<1x128x128xf32, #tpu.memory_space<vmem>>
          %dma_wait3A_269 = tpu.memref_squeeze %dma_wait3A_268 : memref<1x128x128xf32, #tpu.memory_space<vmem>> -> memref<128x128xf32, #tpu.memory_space<vmem>>
          tpu.wait_dma2 semaphore(%arg9 : memref<!tpu.dma_semaphore, #tpu.memory_space<semaphore_mem>>) src(%dma_wait3A_269 : memref<128x128xf32, #tpu.memory_space<vmem>>) dst(%dma_wait3A_265 : memref<128x128xf32, #tpu.memory_space<hbm>>)
        } else {
        }
        %mul3A_223 = arith.constant 128 : i32
        %mul3A_224 = arith.muli %add3A_214, %mul3A_223 : i32
        %dma_start3A_225 = arith.constant 3 : i32
        %dma_start3A_226 = arith.constant 0 : i32
        %dma_start3A_227 = arith.constant 0 : i32
        %dma_start3A_228 = tpu.memref_slice %arg6[%dma_start3A_225, %dma_start3A_226, %dma_start3A_227] : memref<4x128x128xf32, #tpu.memory_space<vmem>> -> memref<1x128x128xf32, #tpu.memory_space<vmem>>
        %dma_start3A_229 = tpu.memref_squeeze %dma_start3A_228 : memref<1x128x128xf32, #tpu.memory_space<vmem>> -> memref<128x128xf32, #tpu.memory_space<vmem>>
        %dma_start3A_230 = tpu.memref_slice %arg5[%mul3A_224] : memref<25600xi32, #tpu.memory_space<vmem>> -> memref<128xi32, #tpu.memory_space<vmem>>
        %dma_start3A_231 = arith.constant 0 : i32
        %dma_start3A_232 = arith.constant 0 : i32
        %dma_start3A_233 = tpu.memref_slice %arg7[%dma_start3A_231, %dma_start3A_232] : memref<32x128xf32, #tpu.memory_space<vmem_shared>> -> memref<32x128xf32, #tpu.memory_space<vmem_shared>>
        tpu.enqueue_indirect_dma source(%dma_start3A_233 : memref<32x128xf32, #tpu.memory_space<vmem_shared>>) target(%dma_start3A_229 : memref<128x128xf32, #tpu.memory_space<vmem>>) offsets(%dma_start3A_230 : memref<128xi32, #tpu.memory_space<vmem>>) semaphore(%arg8 : memref<!tpu.dma_semaphore, #tpu.memory_space<semaphore_mem>>)
        %dma_wait3A_234 = arith.constant 3 : i32
        %dma_wait3A_235 = arith.constant 0 : i32
        %dma_wait3A_236 = arith.constant 0 : i32
        %dma_wait3A_237 = tpu.memref_slice %arg6[%dma_wait3A_234, %dma_wait3A_235, %dma_wait3A_236] : memref<4x128x128xf32, #tpu.memory_space<vmem>> -> memref<1x128x128xf32, #tpu.memory_space<vmem>>
        %dma_wait3A_238 = tpu.memref_squeeze %dma_wait3A_237 : memref<1x128x128xf32, #tpu.memory_space<vmem>> -> memref<128x128xf32, #tpu.memory_space<vmem>>
        %dma_wait3A_239 = tpu.memref_slice %arg5[%mul3A_224] : memref<25600xi32, #tpu.memory_space<vmem>> -> memref<128xi32, #tpu.memory_space<vmem>>
        %dma_wait3A_240 = arith.constant 0 : i32
        %dma_wait3A_241 = arith.constant 0 : i32
        %dma_wait3A_242 = tpu.memref_slice %arg7[%dma_wait3A_240, %dma_wait3A_241] : memref<32x128xf32, #tpu.memory_space<vmem_shared>> -> memref<32x128xf32, #tpu.memory_space<vmem_shared>>
        tpu.wait_indirect_dma semaphore(%arg8 : memref<!tpu.dma_semaphore, #tpu.memory_space<semaphore_mem>>) src(%dma_wait3A_242 : memref<32x128xf32, #tpu.memory_space<vmem_shared>>) dst(%dma_wait3A_238 : memref<128x128xf32, #tpu.memory_space<vmem>>)
        %dma_start3A_243 = arith.constant 3 : i32
        %dma_start3A_244 = arith.constant 0 : i32
        %dma_start3A_245 = arith.constant 0 : i32
        %dma_start3A_246 = tpu.memref_slice %arg6[%dma_start3A_243, %dma_start3A_244, %dma_start3A_245] : memref<4x128x128xf32, #tpu.memory_space<vmem>> -> memref<1x128x128xf32, #tpu.memory_space<vmem>>
        %dma_start3A_247 = tpu.memref_squeeze %dma_start3A_246 : memref<1x128x128xf32, #tpu.memory_space<vmem>> -> memref<128x128xf32, #tpu.memory_space<vmem>>
        %dma_start3A_248 = arith.constant 0 : i32
        %dma_start3A_249 = tpu.memref_slice %arg4[%add3A_217, %dma_start3A_248] : memref<3276800x128xf32, #tpu.memory_space<hbm>> -> memref<128x128xf32, #tpu.memory_space<hbm>>
        %dma_start3A_250 = arith.constant 0 : i32
        %dma_start3A_251 = tpu.memref_slice %arg4[%add3A_217, %dma_start3A_250] : memref<3276800x128xf32, #tpu.memory_space<hbm>> -> memref<128x128xf32, #tpu.memory_space<hbm>>
        %dma_start3A_252 = arith.constant 0 : i32
        %dma_start3A_253 = arith.constant 0 : i32
        %dma_start3A_254 = tpu.memref_slice %arg6[%dma_start3A_243, %dma_start3A_252, %dma_start3A_253] : memref<4x128x128xf32, #tpu.memory_space<vmem>> -> memref<1x128x128xf32, #tpu.memory_space<vmem>>
        %dma_start3A_255 = tpu.memref_squeeze %dma_start3A_254 : memref<1x128x128xf32, #tpu.memory_space<vmem>> -> memref<128x128xf32, #tpu.memory_space<vmem>>
        tpu.enqueue_dma source(%dma_start3A_255 : memref<128x128xf32, #tpu.memory_space<vmem>>) target(%dma_start3A_251 : memref<128x128xf32, #tpu.memory_space<hbm>>) target_semaphore(%arg9 : memref<!tpu.dma_semaphore, #tpu.memory_space<semaphore_mem>>)
      }
      %scan3A_21 = arith.constant 50 : i32
      %add3A_22 = arith.constant 25088 : i32
      %add3A_23 = arith.addi %add3A_16, %add3A_22 : i32
      %dma_wait3A = arith.constant 0 : i32
      %dma_wait3A_24 = arith.constant 0 : i32
      %dma_wait3A_25 = arith.constant 0 : i32
      %dma_wait3A_26 = tpu.memref_slice %arg6[%dma_wait3A, %dma_wait3A_24, %dma_wait3A_25] : memref<4x128x128xf32, #tpu.memory_space<vmem>> -> memref<1x128x128xf32, #tpu.memory_space<vmem>>
      %dma_wait3A_27 = tpu.memref_squeeze %dma_wait3A_26 : memref<1x128x128xf32, #tpu.memory_space<vmem>> -> memref<128x128xf32, #tpu.memory_space<vmem>>
      %dma_wait3A_28 = arith.constant 0 : i32
      %dma_wait3A_29 = tpu.memref_slice %arg4[%add3A_23, %dma_wait3A_28] : memref<3276800x128xf32, #tpu.memory_space<hbm>> -> memref<128x128xf32, #tpu.memory_space<hbm>>
      %dma_wait3A_30 = arith.constant 0 : i32
      %dma_wait3A_31 = tpu.memref_slice %arg4[%add3A_23, %dma_wait3A_30] : memref<3276800x128xf32, #tpu.memory_space<hbm>> -> memref<128x128xf32, #tpu.memory_space<hbm>>
      %dma_wait3A_32 = arith.constant 0 : i32
      %dma_wait3A_33 = arith.constant 0 : i32
      %dma_wait3A_34 = tpu.memref_slice %arg6[%dma_wait3A, %dma_wait3A_32, %dma_wait3A_33] : memref<4x128x128xf32, #tpu.memory_space<vmem>> -> memref<1x128x128xf32, #tpu.memory_space<vmem>>
      %dma_wait3A_35 = tpu.memref_squeeze %dma_wait3A_34 : memref<1x128x128xf32, #tpu.memory_space<vmem>> -> memref<128x128xf32, #tpu.memory_space<vmem>>
      tpu.wait_dma2 semaphore(%arg9 : memref<!tpu.dma_semaphore, #tpu.memory_space<semaphore_mem>>) src(%dma_wait3A_35 : memref<128x128xf32, #tpu.memory_space<vmem>>) dst(%dma_wait3A_31 : memref<128x128xf32, #tpu.memory_space<hbm>>)
      %add3A_36 = arith.constant 25216 : i32
      %add3A_37 = arith.addi %add3A_16, %add3A_36 : i32
      %dma_wait3A_38 = arith.constant 1 : i32
      %dma_wait3A_39 = arith.constant 0 : i32
      %dma_wait3A_40 = arith.constant 0 : i32
      %dma_wait3A_41 = tpu.memref_slice %arg6[%dma_wait3A_38, %dma_wait3A_39, %dma_wait3A_40] : memref<4x128x128xf32, #tpu.memory_space<vmem>> -> memref<1x128x128xf32, #tpu.memory_space<vmem>>
      %dma_wait3A_42 = tpu.memref_squeeze %dma_wait3A_41 : memref<1x128x128xf32, #tpu.memory_space<vmem>> -> memref<128x128xf32, #tpu.memory_space<vmem>>
      %dma_wait3A_43 = arith.constant 0 : i32
      %dma_wait3A_44 = tpu.memref_slice %arg4[%add3A_37, %dma_wait3A_43] : memref<3276800x128xf32, #tpu.memory_space<hbm>> -> memref<128x128xf32, #tpu.memory_space<hbm>>
      %dma_wait3A_45 = arith.constant 0 : i32
      %dma_wait3A_46 = tpu.memref_slice %arg4[%add3A_37, %dma_wait3A_45] : memref<3276800x128xf32, #tpu.memory_space<hbm>> -> memref<128x128xf32, #tpu.memory_space<hbm>>
      %dma_wait3A_47 = arith.constant 0 : i32
      %dma_wait3A_48 = arith.constant 0 : i32
      %dma_wait3A_49 = tpu.memref_slice %arg6[%dma_wait3A_38, %dma_wait3A_47, %dma_wait3A_48] : memref<4x128x128xf32, #tpu.memory_space<vmem>> -> memref<1x128x128xf32, #tpu.memory_space<vmem>>
      %dma_wait3A_50 = tpu.memref_squeeze %dma_wait3A_49 : memref<1x128x128xf32, #tpu.memory_space<vmem>> -> memref<128x128xf32, #tpu.memory_space<vmem>>
      tpu.wait_dma2 semaphore(%arg9 : memref<!tpu.dma_semaphore, #tpu.memory_space<semaphore_mem>>) src(%dma_wait3A_50 : memref<128x128xf32, #tpu.memory_space<vmem>>) dst(%dma_wait3A_46 : memref<128x128xf32, #tpu.memory_space<hbm>>)
      %add3A_51 = arith.constant 25344 : i32
      %add3A_52 = arith.addi %add3A_16, %add3A_51 : i32
      %dma_wait3A_53 = arith.constant 2 : i32
      %dma_wait3A_54 = arith.constant 0 : i32
      %dma_wait3A_55 = arith.constant 0 : i32
      %dma_wait3A_56 = tpu.memref_slice %arg6[%dma_wait3A_53, %dma_wait3A_54, %dma_wait3A_55] : memref<4x128x128xf32, #tpu.memory_space<vmem>> -> memref<1x128x128xf32, #tpu.memory_space<vmem>>
      %dma_wait3A_57 = tpu.memref_squeeze %dma_wait3A_56 : memref<1x128x128xf32, #tpu.memory_space<vmem>> -> memref<128x128xf32, #tpu.memory_space<vmem>>
      %dma_wait3A_58 = arith.constant 0 : i32
      %dma_wait3A_59 = tpu.memref_slice %arg4[%add3A_52, %dma_wait3A_58] : memref<3276800x128xf32, #tpu.memory_space<hbm>> -> memref<128x128xf32, #tpu.memory_space<hbm>>
      %dma_wait3A_60 = arith.constant 0 : i32
      %dma_wait3A_61 = tpu.memref_slice %arg4[%add3A_52, %dma_wait3A_60] : memref<3276800x128xf32, #tpu.memory_space<hbm>> -> memref<128x128xf32, #tpu.memory_space<hbm>>
      %dma_wait3A_62 = arith.constant 0 : i32
      %dma_wait3A_63 = arith.constant 0 : i32
      %dma_wait3A_64 = tpu.memref_slice %arg6[%dma_wait3A_53, %dma_wait3A_62, %dma_wait3A_63] : memref<4x128x128xf32, #tpu.memory_space<vmem>> -> memref<1x128x128xf32, #tpu.memory_space<vmem>>
      %dma_wait3A_65 = tpu.memref_squeeze %dma_wait3A_64 : memref<1x128x128xf32, #tpu.memory_space<vmem>> -> memref<128x128xf32, #tpu.memory_space<vmem>>
      tpu.wait_dma2 semaphore(%arg9 : memref<!tpu.dma_semaphore, #tpu.memory_space<semaphore_mem>>) src(%dma_wait3A_65 : memref<128x128xf32, #tpu.memory_space<vmem>>) dst(%dma_wait3A_61 : memref<128x128xf32, #tpu.memory_space<hbm>>)
      %add3A_66 = arith.constant 25472 : i32
      %add3A_67 = arith.addi %add3A_16, %add3A_66 : i32
      %dma_wait3A_68 = arith.constant 3 : i32
      %dma_wait3A_69 = arith.constant 0 : i32
      %dma_wait3A_70 = arith.constant 0 : i32
      %dma_wait3A_71 = tpu.memref_slice %arg6[%dma_wait3A_68, %dma_wait3A_69, %dma_wait3A_70] : memref<4x128x128xf32, #tpu.memory_space<vmem>> -> memref<1x128x128xf32, #tpu.memory_space<vmem>>
      %dma_wait3A_72 = tpu.memref_squeeze %dma_wait3A_71 : memref<1x128x128xf32, #tpu.memory_space<vmem>> -> memref<128x128xf32, #tpu.memory_space<vmem>>
      %dma_wait3A_73 = arith.constant 0 : i32
      %dma_wait3A_74 = tpu.memref_slice %arg4[%add3A_67, %dma_wait3A_73] : memref<3276800x128xf32, #tpu.memory_space<hbm>> -> memref<128x128xf32, #tpu.memory_space<hbm>>
      %dma_wait3A_75 = arith.constant 0 : i32
      %dma_wait3A_76 = tpu.memref_slice %arg4[%add3A_67, %dma_wait3A_75] : memref<3276800x128xf32, #tpu.memory_space<hbm>> -> memref<128x128xf32, #tpu.memory_space<hbm>>
      %dma_wait3A_77 = arith.constant 0 : i32
      %dma_wait3A_78 = arith.constant 0 : i32
      %dma_wait3A_79 = tpu.memref_slice %arg6[%dma_wait3A_68, %dma_wait3A_77, %dma_wait3A_78] : memref<4x128x128xf32, #tpu.memory_space<vmem>> -> memref<1x128x128xf32, #tpu.memory_space<vmem>>
      %dma_wait3A_80 = tpu.memref_squeeze %dma_wait3A_79 : memref<1x128x128xf32, #tpu.memory_space<vmem>> -> memref<128x128xf32, #tpu.memory_space<vmem>>
      tpu.wait_dma2 semaphore(%arg9 : memref<!tpu.dma_semaphore, #tpu.memory_space<semaphore_mem>>) src(%dma_wait3A_80 : memref<128x128xf32, #tpu.memory_space<vmem>>) dst(%dma_wait3A_76 : memref<128x128xf32, #tpu.memory_space<hbm>>)
    }
    %scan3A_8 = arith.constant 4 : i32
    return
  }
}

</mosaic_0001>

<sc_bundles>
// kernel: kernel.3.cloned.1.call-start
scs
__scs_entry_jumppad:
0x0: {  	(pc) =	sbr.rel $0x88, $3  }
0x1: {  	(tag) =	ssettag $0x0;
	lr =	simm.s32 $0x1  }
0x2: {  	[smem:$0x3F9F] =	sst lr;
	_ =	strace $0xD0000000  }
0x3: {  	_ = 	snop  }
0x4: {  	_ = 	snop  }
0x5: {  	_ = 	snop  }
0x6: {  	_ = 	snop  }
0x7: {  	_ = 	snop  }
__scs_overlays_trampoline_lowered:
0x8: {  	[smem:$0x3FAE] =	sst s0  }
0x9: {  	[smem:$0x3FAF] =	sst s1  }
0xa: {  	[smem:$0x3FB0] =	sst s2  }
0xb: {  	[smem:$0x3FB1] =	sst s3  }
0xc: {  	[smem:$0x3FB2] =	sst s4  }
0xd: {  	[smem:$0x3FB3] =	sst s5  }
0xe: {  	[smem:$0x3FB4] =	sst s6  }
0xf: {  	[smem:$0x3FB5] =	sst s7  }
0x10: {  	[smem:$0x3FB6] =	sst s8  }
0x11: {  	[smem:$0x3FB7] =	sst s9;
	s0 =	simm.s32 @!p0 $0x0  }
0x12: {  	s1 =	sld [smem:$0x3F9D];
	s0 =	simm.s32 @p0 $0x1  }
0x13: {  	[smem:$0x3FB8] =	sst s0;
	s0 =	simm.s32 @!p1 $0x0  }
0x14: {  	s2 =	sld [smem:$0x3F9C];
	s0 =	simm.s32 @p1 $0x1  }
0x15: {  	[smem:$0x3FB9] =	sst s0;
	s0 =	simm.s32 @!p2 $0x0  }
0x16: {  	s3 =	sld [smem:$0x3FDB];
	s0 =	simm.s32 @p2 $0x1  }
0x17: {  	s4 =	simm.s32 $0x1BF5;
	[smem:$0x3FBB] =	sst s0  }
0x18: {  	s0 =	sld [smem:$0x3F9E];
	_ =	swait.ge [sflag:s4], $0x0  }
0x19: {  	s7 =	sld [smem:$0x3F9F]  }
0x1a: {  	s8 =	sadd.s32 $0xFFFFE003, lr  }
0x1b: {  	s9 =	sadd.s32 $0xFFFFFEF7, lr;
	s5 =	simm.s32 $0xFFFFFFFF;
	p2 =	slt.u32 s8, $0xFFFFF086  }
0x1c: {  	p1 =	slt.u32 s9, $0xF7A;
	s5 =	simm.s32 @!p2 $0x0  }
0x1d: {  	s5 =	simm.s32 @p1 $0x1;
	p0 =	seq.s32 s7, s2  }
0x1e: {  	s7 =	smul.u32 @!p0 $0xF7A, s2;
	p2 =	seq.s32 @!p0 s5, $0x0  }
0x1f: {  	s9 =	smul.u32 $0xF7A, s1;
	s8 =	simm.s32 @!p0 $0x1BF5;
	p2 =	por !p2, p0  }
0x20: {  	[sflag:s8] =	ssyncset.s32 @!p0 $0xFFFFF086;
	s6 =	sadd.s32 @!p0 s3, s7;
	s7 =	simm.s32 @!p0 $0x108  }
0x21: {  	s3 =	sadd.s32 s3, s9;
	s6 =	sadd.s32 @!p0 $0x88, s6;
	s7 =	simm.s32 @p2 $0x1082  }
0x22: {  	[simem:s7], [sflag:s8] =	dma.local @!p0 [hbm:s6], $0xF7A  }
0x23: {  	s9 =	sor.u32 $0xD0000000, s2;
	s6 =	simm.s32 $0x108;
	_ =	swait.ge @!p0 [sflag:s8], $0x0  }
0x24: {  	s3 =	sadd.s32 $0x88, s3;
	s6 =	simm.s32 @!p1 $0x1082;
	[sflag:s4] =	ssyncset.s32 $0xFFFFF086  }
0x25: {  	[simem:s6], [sflag:s4] =	dma.local [hbm:s3], $0xF7A  }
0x26: {  	[smem:$0x3F9F] =	sst s1;
	(tag) =	ssettag s2;
	_ =	strace s9  }
0x27: {  	s1 =	sld [smem:$0x3FAF]  }
0x28: {  	s2 =	sld [smem:$0x3FB0]  }
0x29: {  	s4 =	sld [smem:$0x3FB2]  }
0x2a: {  	p0 =	seq.s32 s5, $0x0;
	s5 =	sld [smem:$0x3FB3]  }
0x2b: {  	s6 =	sld [smem:$0x3FB4]  }
0x2c: {  	s7 =	sld [smem:$0x3FB5]  }
0x2d: {  	s3 =	simm.s32 $0x108;
	s8 =	sld [smem:$0x3FB6]  }
0x2e: {  	s3 =	simm.s32 @!p0 $0x1082;
	s9 =	sld [smem:$0x3FB7]  }
0x2f: {  	lr =	sadd.s32 s0, s3;
	s0 =	sld [smem:$0x3FAE]  }
0x30: {  	s3 =	sld [smem:$0x3FB1]  }
0x31: {  	[smem:$0x3FBA] =	sst s10  }
0x32: {  	s10 =	sld [smem:$0x3FB8];
	_ =	sdelay $0x3  }
0x33: {  	p0 =	seq.s32 s10, $0x1;
	s10 =	sld [smem:$0x3FBA];
	_ =	sdelay $0x3  }
0x34: {  	[smem:$0x3FBA] =	sst s10  }
0x35: {  	s10 =	sld [smem:$0x3FB9];
	_ =	sdelay $0x3  }
0x36: {  	p1 =	seq.s32 s10, $0x1;
	s10 =	sld [smem:$0x3FBA];
	_ =	sdelay $0x3  }
0x37: {  	[smem:$0x3FBA] =	sst s10  }
0x38: {  	s10 =	sld [smem:$0x3FBB]  }
0x39: {  	_ = 	snop;
	(pc) =	sbr.ind lr, $3  }
0x3a: {  	_ = 	snop  }
0x3b: {  	_ = 	snop  }
0x3c: {  	p2 =	seq.s32 s10, $0x1;
	s10 =	sld [smem:$0x3FBA]  }
0x3d: {  	_ =	shalt  }
0x3e: {  	_ =	shalt  }
0x3f: {  	_ =	shalt  }
0x40: {  	_ =	shalt  }
0x41: {  	_ =	shalt  }
0x42: {  	_ =	shalt  }
0x43: {  	_ =	shalt  }
0x44: {  	_ =	shalt  }
0x45: {  	_ =	shalt  }
0x46: {  	_ =	shalt  }
0x47: {  	_ =	shalt  }
0x48: {  	_ =	shalt  }
0x49: {  	_ =	shalt  }
0x4a: {  	_ =	shalt  }
0x4b: {  	_ =	shalt  }
0x4c: {  	_ =	shalt  }
0x4d: {  	_ =	shalt  }
0x4e: {  	_ =	shalt  }
0x4f: {  	_ =	shalt  }
0x50: {  	_ =	shalt  }
0x51: {  	_ =	shalt  }
0x52: {  	_ =	shalt  }
0x53: {  	_ =	shalt  }
0x54: {  	_ =	shalt  }
0x55: {  	_ =	shalt  }
0x56: {  	_ =	shalt  }
0x57: {  	_ =	shalt  }
0x58: {  	_ =	shalt  }
0x59: {  	_ =	shalt  }
0x5a: {  	_ =	shalt  }
0x5b: {  	_ =	shalt  }
0x5c: {  	_ =	shalt  }
0x5d: {  	_ =	shalt  }
0x5e: {  	_ =	shalt  }
0x5f: {  	_ =	shalt  }
0x60: {  	_ =	shalt  }
0x61: {  	_ =	shalt  }
0x62: {  	_ =	shalt  }
0x63: {  	_ =	shalt  }
0x64: {  	_ =	shalt  }
0x65: {  	_ =	shalt  }
0x66: {  	_ =	shalt  }
0x67: {  	_ =	shalt  }
0x68: {  	_ =	shalt  }
0x69: {  	_ =	shalt  }
0x6a: {  	_ =	shalt  }
0x6b: {  	_ =	shalt  }
0x6c: {  	_ =	shalt  }
0x6d: {  	_ =	shalt  }
0x6e: {  	_ =	shalt  }
0x6f: {  	_ =	shalt  }
0x70: {  	_ =	shalt  }
0x71: {  	_ =	shalt  }
0x72: {  	_ =	shalt  }
0x73: {  	_ =	shalt  }
0x74: {  	_ =	shalt  }
0x75: {  	_ =	shalt  }
0x76: {  	_ =	shalt  }
0x77: {  	_ =	shalt  }
0x78: {  	_ =	shalt  }
0x79: {  	_ =	shalt  }
0x7a: {  	_ =	shalt  }
0x7b: {  	_ =	shalt  }
0x7c: {  	_ =	shalt  }
0x7d: {  	_ =	shalt  }
0x7e: {  	_ =	shalt  }
0x7f: {  	_ =	shalt  }
0x80: {  	_ =	shalt  }
0x81: {  	_ =	shalt  }
0x82: {  	_ =	shalt  }
0x83: {  	_ =	shalt  }
0x84: {  	_ =	shalt  }
0x85: {  	_ =	shalt  }
0x86: {  	_ =	shalt  }
0x87: {  	_ =	shalt  }
.Lfunc_end0:
.L_simem_size_0:
called_computation_lowered:
.L_overlay_start_0:
0x88: {  	s2 =	sld [smem:$0x3FD9]  }
0x89: {  	s3 =	sld [smem:$0x3FFE];
	_ =	sdelay $0x1  }
0x8a: {  	s1 =	srdreg.scid  }
0x8b: {  	s0 =	sand.u32 $0x1, s1  }
0x8c: {  	s17 =	sshll.u32 s0, $0xA;
	s2 =	sadd.s32 s3, s2  }
0x8d: {  	s2 =	sadd.s32 s2, s17  }
0x8e: {  	[smem:$0x3FC6] =	sst s2  }
0x8f: {  	_ = 	snop  }
0x90: {  	s2 =	sld [smem:$0x3FC8]  }
0x91: {  	s18 =	sld [smem:$0x3FD0];
	(tm) =	ssettm $0x1  }
0x92: {  	s4 =	sld [smem:$0x3FFB];
	_ =	sdelay $0x3  }
0x93: {  	_ =	strace s4  }
0x94: {  	s4 =	sld [smem:$0x3FFC];
	_ =	sdelay $0x3  }
0x95: {  	_ =	strace s4  }
0x96: {  	s4 =	sld [smem:$0x3FFD];
	_ =	sdelay $0x3  }
0x97: {  	_ =	strace s4  }
0x98: {  	_ =	strace $0x8FFFFFFF  }
0x99: {  	s19 =	sld [smem:$0x3FDB];
	_ =	sdelay $0x1  }
0x9a: {  	s5 =	simm.s32 $_scs_section_size  }
0x9b: {  	s6 =	simm.s32 $_size__tile_overlayer_lowered;
	s7 =	simm.s32 $_tile_overlayer_lowered  }
0x9c: {  	s22 =	simm.s32 $0x1BFF;
	s21 =	sshll.u32 s7, $0x1;
	s4 =	sadd.s32 s5, s19  }
0x9d: {  	s8 =	simm.s32 $0x0;
	s20 =	sshll.u32 s6, $0x1;
	s6 =	sadd.s32 s21, s4  }
0x9e: {  	[timem:s8], [sflag:s22] =	dma.local [hbm:s6], s20  }
0x9f: {  	_ =	swait.ge [sflag:s22], s20  }
0xa0: {  	s5 =	ssub.s32 $0x0, s20;
	[sflag:s22] =	ssyncset.done $0x0  }
0xa1: {  	[sflag:s22] =	ssyncadd.s32 s5;
	_ =	sdelay $0x1  }
0xa2: {  	s23 =	simm.s32 $0x1B8B  }
0xa3: {  	_ =	swait.ge [sflag:s23], $0x1  }
0xa4: {  	[sflag:s23] =	ssyncset.done $0x0  }
0xa5: {  	s25 =	simm.s32 $0x1B8E;
	s24 =	sld [smem:$0x3FFE];
	[sflag:s23] =	ssyncadd.s32 $0xFFFFFFFF  }
0xa6: {  	s26 =	simm.s32 $execute0_lowered;
	[smem:$0x3FD2] =	sst s25  }
0xa7: {  	s6 =	sshll.u32 s26, $0x1;
	_ =	strace $0x80000046;
	[dreg:$0x1] =	wrdreg $0xFFFFFFFF  }
0xa8: {  	s28 =	simm.s32 $_size_execute0_lowered;
	s4 =	sadd.s32 s4, s6;
	[dreg:$0x0] =	wrdreg $0x0  }
0xa9: {  	s6 =	sshll.u32 s28, $0x1;
	[dreg:$0x2] =	wrdreg s4  }
0xaa: {  	[dreg:$0x3] =	wrdreg s6  }
0xab: {  	[dreg:$0x4] =	wrdreg $0xC0  }
0xac: {  	_ =	task [dreg:s8], $0x5FFFF  }
0xad: {  	[dreg:$0x1] =	wrdreg $0xFFFFFFFF  }
0xae: {  	[dreg:$0x0] =	wrdreg $0x60  }
0xaf: {  	[dreg:$0x2] =	wrdreg s24  }
0xb0: {  	[dreg:$0x3] =	wrdreg s2  }
0xb1: {  	[dreg:$0x4] =	wrdreg s18  }
0xb2: {  	[dreg:$0x5] =	wrdreg $0x164000  }
0xb3: {  	[dreg:$0x6] =	wrdreg $0x9  }
0xb4: {  	_ =	task.clear_ibuf [dreg:s8], $0x7FFFF;
	_ =	strace $0x90000046  }
0xb5: {  	s29 =	simm.s32 $0x9;
	_ =	strace $0x80000048  }
0xb6: {  	_ =	swait.ge [sflag:s29], $0x1  }
0xb7: {  	[sflag:s29] =	ssyncadd.s32 $0xFFFFFFFF  }
0xb8: {  	_ =	strace $0x90000048  }
0xb9: {  	_ =	sfence  }
0xba: {  	s30 =	sld [smem:$0x0];
	_ =	sdelay $0x2  }
0xbb: {  	s31 =	sshll.u32 s1, $0xD;
	s1 =	sshrl.u32 s1, $0x2  }
0xbc: {  	s3 =	sand.u32 $0x4000, s31;
	s1 =	sadd.s32 s1, s30  }
0xbd: {  	s0 =	sor.u32 s3, s0;
	s1 =	sshll.u32 s1, $0x11  }
0xbe: {  	s0 =	sor.u32 s1, s0  }
0xbf: {  	s0 =	sadd.s32 $0x8F2B, s0  }
0xc0: {  	[sflag:s0] =	ssyncadd.remote.s32 $0x1  }
0xc1: {  	_ =	sfence.sel $0xFFFF  }
0xc2: {  	[dreg:$0x0] =	wrdreg $0xFFFFFFFF;
	(pc) =	sbr.abs _section_cstart, $3  }
0xc3: {  	[dreg:$0x1] =	wrdreg $0xFFFFFFFF  }
0xc4: {  	_ =	task.clear_ibuf [dreg:s8], $0x2FFFF;
	_ =	strace $0x9FFFFFFF  }
0xc5: {  	(tm) =	ssettm $0x7FFFFFFF  }
tec
execute0_lowered:
.L_overlay_start_1:
0x0: {  	(tag) =	ssettag $0x1  }
0x1: {  	s4 =	rddreg [dreg:$0x0]  }
0x2: {  	s1 =	rddreg [dreg:$0x1]  }
0x3: {  	s5 =	rddreg [dreg:$0x2]  }
0x4: {  	s2 =	rddreg [dreg:$0x3]  }
0x5: {  	s0 =	rddreg [dreg:$0x4]  }
0x6: {  	s3 =	simm.s32 $0x0;
	s6 =	srdreg.scid;
	s7 =	stileid.u32  }
0x7: {  	s13 =	simm.s32 $0xA400;
	s14 =	simm.s32 $0xE400;
	s15 =	simm.s32 $0x12400  }
0x8: {  	s16 =	simm.s32 $0x2;
	s17 =	simm.s32 $0x0;
	[smem:$0x7FF] =	sst s3  }
0x9: {  	s6 =	sand.u32 $0x1, s6;
	s4 =	sadd.s32 $0x400, s4;
	s9 =	smul.u32 $0x320000, s7  }
0xa: {  	s11 =	sshll.u32 s7, $0x1;
	p0 =	sne.s32 s7, $0x0;
	_ =	strace $0x80000047  }
0xb: {  	s8 =	ssub.s32 $0x2, s6;
	s12 =	smul.u32 $0x190000, s6;
	s6 =	sor.u32 s6, s11  }
0xc: {  	s11 =	simm.s32 $0x6400;
	s10 =	sshrl.u32 s8, $0x1;
	s9 =	sadd.s32 s9, s5  }
0xd: {  	s5 =	smul.u32 $0x19000, s6;
	s8 =	ssub.s32 s8, s10;
	s9 =	sadd.s32 s12, s9  }
0xe: {  	s10 =	simm.s32 $0x80;
	s12 =	simm.s32 $0x1;
	s6 =	smax.u32 s8, $0x1  }
0xf: {  	s7 =	sadd.s32 $0x1800, s9;
	s8 =	sshrl.u32 @!p0 s2, $0x3;
	s9 =	simm.s32 $0x3  }
.LBB2_1:
0x10: {  	s18 =	simm.s32 @!p0 $0x1C03  }
0x11: {  	[spmem:s8], [sflag:s18] =	dma.local @!p0 [hbm:s1], $0x200  }
0x12: {  	s18 =	simm.s32 @!p0 $0x3  }
0x13: {  	_ =	swait.ge @!p0 [sflag:s18], $0x200  }
0x14: {  	[sflag:s18] =	ssyncset.done @!p0 $0x0  }
0x15: {  	[sflag:s18] =	ssyncadd.s32 @!p0 $0xFFFFFE00  }
0x16: {  	s19 =	simm.s32 $0x0;
	s18 =	smov.u32 s7;
	[bflag:$0x0] =	sbarrier.arrive $0xFFFF  }
.LBB2_2:
0x17: {  	s20 =	smul.u32 $0x6400, s19;
	_ =	sdelay $0x1  }
0x18: {  	s20 =	sadd.s32 s5, s20  }
0x19: {  	s20 =	sshrl.u32 s20, $0x3  }
0x1a: {  	s21 =	simm.s32 $0x0;
	s20 =	sadd.s32 s4, s20  }
0x1b: {  	[tilespmem:s21], [sflag:$0x3] =	stream.linear.gather [hbm4b:s20+s21], $0x6400, $0x38;
	[tilespmem:$0x16500] =	vst v63  }
0x1c: {  	_ =	swait.ge [sflag:s9], $0x6400  }
0x1d: {  	p1 =	por $0x1, $0x1;
	[sflag:s9] =	ssyncset.done $0x0  }
0x1e: {  	s20 =	simm.s32 @!p1 $0x2;
	[sflag:s9] =	ssyncadd.s32 $0xFFFF9C00  }
0x1f: {  	_ =	swait.ge @!p1 [sflag:s20], $0x4000  }
0x20: {  	[sflag:s20] =	ssyncset.done @!p1 $0x0  }
0x21: {  	s24 =	simm.s32 $0x0;
	[sflag:s20] =	ssyncadd.s32 @!p1 $0xFFFFC000  }
0x22: {  	[tilespmem:s11], [sflag:$0x1] =	stream.indirect.gather [spmem:s2], $0x80, s24, s10, $0xb8;
	[tilespmem:$0x16500] =	vst v63  }
0x23: {  	_ =	swait.ge [sflag:s12], $0x4000  }
0x24: {  	[sflag:s12] =	ssyncset.done $0x0  }
0x25: {  	s25 =	sadd.s32 $0xFFFFE800, s18;
	[sflag:s12] =	ssyncadd.s32 $0xFFFFC000  }
0x26: {  	[hbm4b:s25+s3] =	stream.linear.scatter [tilespmem:s11], [sflag:$0x2], $0x4000, $0x38;
	[tilespmem:$0x16500] =	vst v63  }
0x27: {  	_ =	swait.ge @!p1 [sflag:s20], $0x4000  }
0x28: {  	[sflag:s20] =	ssyncset.done @!p1 $0x0  }
0x29: {  	s26 =	simm.s32 $0x80;
	[sflag:s20] =	ssyncadd.s32 @!p1 $0xFFFFC000  }
0x2a: {  	[tilespmem:s13], [sflag:$0x1] =	stream.indirect.gather [spmem:s2], $0x80, s26, s10, $0xb8;
	[tilespmem:$0x16500] =	vst v63  }
0x2b: {  	_ =	swait.ge [sflag:s12], $0x4000  }
0x2c: {  	[sflag:s12] =	ssyncset.done $0x0  }
0x2d: {  	s28 =	sadd.s32 $0xFFFFF000, s18;
	[sflag:s12] =	ssyncadd.s32 $0xFFFFC000  }
0x2e: {  	[hbm4b:s28+s3] =	stream.linear.scatter [tilespmem:s13], [sflag:$0x2], $0x4000, $0x38;
	[tilespmem:$0x16500] =	vst v63  }
0x2f: {  	_ =	swait.ge @!p1 [sflag:s20], $0x4000  }
0x30: {  	[sflag:s20] =	ssyncset.done @!p1 $0x0  }
0x31: {  	s29 =	simm.s32 $0x100;
	[sflag:s20] =	ssyncadd.s32 @!p1 $0xFFFFC000  }
0x32: {  	[tilespmem:s14], [sflag:$0x1] =	stream.indirect.gather [spmem:s2], $0x80, s29, s10, $0xb8;
	[tilespmem:$0x16500] =	vst v63  }
0x33: {  	_ =	swait.ge [sflag:s12], $0x4000  }
0x34: {  	[sflag:s12] =	ssyncset.done $0x0  }
0x35: {  	s30 =	sadd.s32 $0xFFFFF800, s18;
	[sflag:s12] =	ssyncadd.s32 $0xFFFFC000  }
0x36: {  	[hbm4b:s30+s3] =	stream.linear.scatter [tilespmem:s14], [sflag:$0x2], $0x4000, $0x38;
	[tilespmem:$0x16500] =	vst v63  }
0x37: {  	_ =	swait.ge @!p1 [sflag:s20], $0x4000  }
0x38: {  	[sflag:s20] =	ssyncset.done @!p1 $0x0  }
0x39: {  	s31 =	simm.s32 $0x180;
	s22 =	simm.s32 $0x1000;
	[sflag:s20] =	ssyncadd.s32 @!p1 $0xFFFFC000  }
0x3a: {  	[tilespmem:s15], [sflag:$0x1] =	stream.indirect.gather [spmem:s2], $0x80, s31, s10, $0xb8;
	[tilespmem:$0x16500] =	vst v63  }
0x3b: {  	s23 =	smov.u32 s18;
	s21 =	simm.s32 $0x800;
	_ =	swait.ge [sflag:s12], $0x4000  }
0x3c: {  	p1 =	por $0x0, $0x0;
	s20 =	sadd.s32 $0x2000, s18;
	[sflag:s12] =	ssyncset.done $0x0  }
.LBB2_3:
0x3d: {  	s24 =	simm.s32 @!p1 $0x2  }
0x3e: {  	[sflag:s12] =	ssyncadd.s32 $0xFFFFC000;
	s25 =	smov.u32 s22;
	s22 =	sadd.s32 $0x800, s22  }
0x3f: {  	[hbm4b:s23+s3] =	stream.linear.scatter [tilespmem:s15], [sflag:$0x2], $0x4000, $0x38;
	[tilespmem:$0x16500] =	vst v63  }
0x40: {  	p2 =	sne.s32 s22, $0x19000;
	s23 =	smov.u32 s20;
	_ =	swait.ge @!p1 [sflag:s24], $0x4000  }
0x41: {  	[sflag:s24] =	ssyncset.done @!p1 $0x0  }
0x42: {  	s26 =	sshra.s32 s21, $0x2;
	s21 =	smov.u32 s25;
	[sflag:s24] =	ssyncadd.s32 @!p1 $0xFFFFC000  }
0x43: {  	[tilespmem:s11], [sflag:$0x1] =	stream.indirect.gather [spmem:s2], $0x80, s26, s10, $0xb8;
	[tilespmem:$0x16500] =	vst v63  }
0x44: {  	_ =	swait.ge [sflag:s12], $0x4000  }
0x45: {  	[sflag:s12] =	ssyncset.done $0x0  }
0x46: {  	s25 =	sadd.s32 $0xFFFFE800, s20;
	[sflag:s12] =	ssyncadd.s32 $0xFFFFC000  }
0x47: {  	[hbm4b:s25+s3] =	stream.linear.scatter [tilespmem:s11], [sflag:$0x2], $0x4000, $0x38;
	[tilespmem:$0x16500] =	vst v63  }
0x48: {  	_ =	swait.ge @!p1 [sflag:s24], $0x4000  }
0x49: {  	[sflag:s24] =	ssyncset.done @!p1 $0x0  }
0x4a: {  	s25 =	sadd.s32 $0x80, s26;
	[sflag:s24] =	ssyncadd.s32 @!p1 $0xFFFFC000  }
0x4b: {  	[tilespmem:s13], [sflag:$0x1] =	stream.indirect.gather [spmem:s2], $0x80, s25, s10, $0xb8;
	[tilespmem:$0x16500] =	vst v63  }
0x4c: {  	_ =	swait.ge [sflag:s12], $0x4000  }
0x4d: {  	[sflag:s12] =	ssyncset.done $0x0  }
0x4e: {  	s25 =	sadd.s32 $0xFFFFF000, s20;
	[sflag:s12] =	ssyncadd.s32 $0xFFFFC000  }
0x4f: {  	[hbm4b:s25+s3] =	stream.linear.scatter [tilespmem:s13], [sflag:$0x2], $0x4000, $0x38;
	[tilespmem:$0x16500] =	vst v63  }
0x50: {  	_ =	swait.ge @!p1 [sflag:s24], $0x4000  }
0x51: {  	[sflag:s24] =	ssyncset.done @!p1 $0x0  }
0x52: {  	s25 =	sadd.s32 $0x100, s26;
	[sflag:s24] =	ssyncadd.s32 @!p1 $0xFFFFC000  }
0x53: {  	[tilespmem:s14], [sflag:$0x1] =	stream.indirect.gather [spmem:s2], $0x80, s25, s10, $0xb8;
	[tilespmem:$0x16500] =	vst v63  }
0x54: {  	_ =	swait.ge [sflag:s12], $0x4000  }
0x55: {  	[sflag:s12] =	ssyncset.done $0x0  }
0x56: {  	s25 =	sadd.s32 $0xFFFFF800, s20;
	[sflag:s12] =	ssyncadd.s32 $0xFFFFC000  }
0x57: {  	[hbm4b:s25+s3] =	stream.linear.scatter [tilespmem:s14], [sflag:$0x2], $0x4000, $0x38;
	[tilespmem:$0x16500] =	vst v63  }
0x58: {  	_ =	swait.ge @!p1 [sflag:s24], $0x4000  }
.Ltmp0:
0x59: {  	[sflag:s24] =	ssyncset.done @!p1 $0x0;
	(pc) =	sbr.rel @p2 .LBB2_3-.Ltmp0, $4  }
0x5a: {  	[sflag:s24] =	ssyncadd.s32 @!p1 $0xFFFFC000;
	s24 =	sadd.s32 $0x180, s26  }
0x5b: {  	[tilespmem:s15], [sflag:$0x1] =	stream.indirect.gather [spmem:s2], $0x80, s24, s10, $0xb8;
	[tilespmem:$0x16500] =	vst v63  }
0x5c: {  	_ =	swait.ge [sflag:s12], $0x4000  }
0x5d: {  	s20 =	sadd.s32 $0x2000, s20;
	p1 =	seq.s32 s21, $0x0;
	[sflag:s12] =	ssyncset.done $0x0  }
0x5e: {  	s22 =	simm.s32 @!p1 $0x2;
	[sflag:s12] =	ssyncadd.s32 $0xFFFFC000  }
0x5f: {  	[hbm4b:s23+s3] =	stream.linear.scatter [tilespmem:s15], [sflag:$0x2], $0x4000, $0x38;
	[tilespmem:$0x16500] =	vst v63  }
0x60: {  	_ =	swait.ge @!p1 [sflag:s22], $0x4000  }
0x61: {  	[sflag:s22] =	ssyncset.done @!p1 $0x0  }
0x62: {  	s21 =	sshra.s32 s21, $0x2;
	[sflag:s22] =	ssyncadd.s32 @!p1 $0xFFFFC000  }
0x63: {  	[tilespmem:s11], [sflag:$0x1] =	stream.indirect.gather [spmem:s2], $0x80, s21, s10, $0xb8;
	[tilespmem:$0x16500] =	vst v63  }
0x64: {  	_ =	swait.ge [sflag:s12], $0x4000  }
0x65: {  	[sflag:s12] =	ssyncset.done $0x0  }
0x66: {  	s26 =	sadd.s32 $0xFFFFE800, s20;
	[sflag:s12] =	ssyncadd.s32 $0xFFFFC000  }
0x67: {  	[hbm4b:s26+s3] =	stream.linear.scatter [tilespmem:s11], [sflag:$0x2], $0x4000, $0x38;
	[tilespmem:$0x16500] =	vst v63  }
0x68: {  	_ =	swait.ge @!p1 [sflag:s22], $0x4000  }
0x69: {  	[sflag:s22] =	ssyncset.done @!p1 $0x0  }
0x6a: {  	s28 =	sadd.s32 $0x80, s21;
	[sflag:s22] =	ssyncadd.s32 @!p1 $0xFFFFC000  }
0x6b: {  	[tilespmem:s13], [sflag:$0x1] =	stream.indirect.gather [spmem:s2], $0x80, s28, s10, $0xb8;
	[tilespmem:$0x16500] =	vst v63  }
0x6c: {  	_ =	swait.ge [sflag:s12], $0x4000  }
0x6d: {  	[sflag:s12] =	ssyncset.done $0x0  }
0x6e: {  	s29 =	sadd.s32 $0xFFFFF000, s20;
	[sflag:s12] =	ssyncadd.s32 $0xFFFFC000  }
0x6f: {  	[hbm4b:s29+s3] =	stream.linear.scatter [tilespmem:s13], [sflag:$0x2], $0x4000, $0x38;
	[tilespmem:$0x16500] =	vst v63  }
0x70: {  	_ =	swait.ge @!p1 [sflag:s22], $0x4000  }
0x71: {  	[sflag:s22] =	ssyncset.done @!p1 $0x0  }
0x72: {  	s30 =	sadd.s32 $0x100, s21;
	[sflag:s22] =	ssyncadd.s32 @!p1 $0xFFFFC000  }
0x73: {  	[tilespmem:s14], [sflag:$0x1] =	stream.indirect.gather [spmem:s2], $0x80, s30, s10, $0xb8;
	[tilespmem:$0x16500] =	vst v63  }
0x74: {  	_ =	swait.ge [sflag:s12], $0x4000  }
0x75: {  	[sflag:s12] =	ssyncset.done $0x0  }
0x76: {  	s31 =	sadd.s32 $0xFFFFF800, s20;
	[sflag:s12] =	ssyncadd.s32 $0xFFFFC000  }
0x77: {  	[hbm4b:s31+s3] =	stream.linear.scatter [tilespmem:s14], [sflag:$0x2], $0x4000, $0x38;
	[tilespmem:$0x16500] =	vst v63  }
0x78: {  	_ =	swait.ge @!p1 [sflag:s22], $0x4000  }
0x79: {  	[sflag:s22] =	ssyncset.done @!p1 $0x0  }
0x7a: {  	s21 =	sadd.s32 $0x180, s21;
	[sflag:s22] =	ssyncadd.s32 @!p1 $0xFFFFC000  }
0x7b: {  	[tilespmem:s15], [sflag:$0x1] =	stream.indirect.gather [spmem:s2], $0x80, s21, s10, $0xb8;
	[tilespmem:$0x16500] =	vst v63  }
0x7c: {  	_ =	swait.ge [sflag:s12], $0x4000  }
0x7d: {  	[sflag:s12] =	ssyncset.done $0x0  }
0x7e: {  	[sflag:s12] =	ssyncadd.s32 $0xFFFFC000  }
0x7f: {  	[hbm4b:s20+s3] =	stream.linear.scatter [tilespmem:s15], [sflag:$0x2], $0x4000, $0x38;
	[tilespmem:$0x16500] =	vst v63  }
0x80: {  	_ =	swait.ge [sflag:s16], $0x4000  }
0x81: {  	[sflag:s16] =	ssyncset.done $0x0  }
0x82: {  	[sflag:s16] =	ssyncadd.s32 $0xFFFFC000  }
0x83: {  	_ =	swait.ge [sflag:s16], $0x4000  }
0x84: {  	[sflag:s16] =	ssyncset.done $0x0  }
0x85: {  	s19 =	sadd.s32 $0x1, s19;
	[sflag:s16] =	ssyncadd.s32 $0xFFFFC000  }
0x86: {  	p1 =	sne.s32 s19, $0x4;
	_ =	swait.ge [sflag:s16], $0x4000  }
.Ltmp1:
0x87: {  	[sflag:s16] =	ssyncset.done $0x0;
	(pc) =	sbr.rel @p1 .LBB2_2-.Ltmp1, $4  }
0x88: {  	[sflag:s16] =	ssyncadd.s32 $0xFFFFC000  }
0x89: {  	_ =	swait.ge [sflag:s16], $0x4000  }
0x8a: {  	[sflag:s16] =	ssyncset.done $0x0  }
0x8b: {  	s18 =	sadd.s32 $0x64000, s18;
	[sflag:s16] =	ssyncadd.s32 $0xFFFFC000  }
0x8c: {  	s17 =	sadd.s32 $0x1, s17  }
0x8d: {  	p1 =	sne.s32 s17, s6  }
.Ltmp2:
0x8e: {  	_ = 	snop;
	(pc) =	sbr.rel @p1 .LBB2_1-.Ltmp2, $1  }
0x8f: {  	_ =	sdelay $0x3  }
0x90: {  	_ =	sfence.sel $0x180000  }
0x91: {  	[bflag:$0x0] =	sbarrier.arrive $0xFFFF  }
0x92: {  	_ =	strace $0x90000047  }
0x93: {  	s0 =	sadd.s32 @!p0 $0x100000, s0;
	[bflag:$0x2] =	sbarrier.arrive $0xFFFF  }
0x94: {  	[sflag:s0] =	ssyncadd.tile.s32 @!p0 $0x1;
	_ =	shalt  }
.Lfunc_end2:
_tile_overlayer_lowered:
.L_overlay_start_2:
0x95: {  	(tag) =	ssettag $0x2  }
0x96: {  	s0 =	rddreg [dreg:$0x0];
	s2 =	stileid.u32  }
0x97: {  	s1 =	rddreg [dreg:$0x1];
	p0 =	sne.s32 s2, $0x0  }
0x98: {  	s3 =	rddreg [dreg:$0x2];
	[bflag:$0x3] =	sbarrier.arrive $0xFFFF;
	s2 =	simm.s32 @!p0 $0x1C03  }
0x99: {  	[timem:s3], [sflag:s2] =	dma.local @!p0 [hbm:s0], s1  }
0x9a: {  	s0 =	simm.s32 @!p0 $0x3  }
0x9b: {  	_ =	swait.ge @!p0 [sflag:s0], s1  }
0x9c: {  	s1 =	ssub.s32 @!p0 $0x0, s1;
	[sflag:s0] =	ssyncset.done @!p0 $0x0  }
0x9d: {  	[sflag:s0] =	ssyncadd.s32 @!p0 s1  }
0x9e: {  	[bflag:$0x3] =	sbarrier.arrive $0xFFFF  }
0x9f: {  	_ =	shalt  }

</sc_bundles>
